<compile_context>
chip_gen: v7x
topology: tpu7x:2x2x1
jax: 0.10.2.dev20260603
libtpu: 0.0.44.dev20260713+nightly
codegen_flags: <defaults>
</compile_context>

<pallas_src>
import functools

import jax
import jax.numpy as jnp
from jax import lax
from jax.experimental import pallas as pl
from jax.experimental.pallas import tpu as pltpu
from jax.experimental.pallas import tpu_sc as plsc

H = 768
LANES = 16
VPR = H // LANES
CHUNK = 32
NC, NS = 2, 16
NW = NC * NS
EPS = 1e-12


def _rsqrt(x):
    i = plsc.bitcast(x, jnp.int32)
    i = jnp.int32(0x5F3759DF) - lax.shift_right_logical(i, 1)
    y = plsc.bitcast(i, jnp.float32)
    for _ in range(3):
        y = y * (1.5 - 0.5 * x * y * y)
    return y


def _hsum(x):
    lanes = lax.iota(jnp.int32, LANES)
    dnums = lax.GatherDimensionNumbers(
        offset_dims=(), collapsed_slice_dims=(0,), start_index_map=(0,))
    for sh in (8, 4, 2, 1):
        perm = (lanes ^ sh)[:, None]
        x = x + lax.gather(x, perm, dnums, slice_sizes=(1,),
                           mode=lax.GatherScatterMode.PROMISE_IN_BOUNDS)
    return x


def _emb_body(ids_hbm, word_hbm, pos_hbm, typ_hbm, gam_hbm, bet_hbm, out_hbm,
              idx_v, w_v, p_v, typ_v, gam_v, bet_v, gsem, psem):
    n_rows = out_hbm.shape[0]
    seq_len = pos_hbm.shape[0]
    rows_per_tile = n_rows // NW
    nchunk = rows_per_tile // CHUNK

    wid = lax.axis_index("s") * NC + lax.axis_index("c")
    base = wid * rows_per_tile

    pltpu.sync_copy(ids_hbm.at[wid], idx_v)
    pltpu.sync_copy(typ_hbm, typ_v)
    pltpu.sync_copy(gam_hbm, gam_v)
    pltpu.sync_copy(bet_hbm, bet_v)

    def chunk_body(c, _):
        s0 = base + c * CHUNK
        pos0 = lax.rem(s0, seq_len)
        g = pltpu.async_copy(word_hbm.at[idx_v.at[c]], w_v, gsem)
        p = pltpu.async_copy(pos_hbm.at[pl.ds(pos0, CHUNK)], p_v, psem)
        g.wait()
        p.wait()

        def row_body(r, _):
            def pass1(j, carry):
                acc, accsq = carry
                sl = pl.ds(j * LANES, LANES)
                e = w_v[r, sl] + p_v[r, sl] + typ_v[sl]
                w_v[r, sl] = e
                return acc + e, accsq + e * e

            zero = jnp.zeros((LANES,), jnp.float32)
            acc, accsq = lax.fori_loop(0, VPR, pass1, (zero, zero))
            tot = _hsum(acc)
            tot2 = _hsum(accsq)
            mean = tot * (1.0 / H)
            var = tot2 * (1.0 / H) - mean * mean
            rstd = _rsqrt(var + EPS)

            def pass2(j, _):
                sl = pl.ds(j * LANES, LANES)
                e = w_v[r, sl]
                w_v[r, sl] = (e - mean) * rstd * gam_v[sl] + bet_v[sl]
                return 0

            lax.fori_loop(0, VPR, pass2, 0)
            return 0

        lax.fori_loop(0, CHUNK, row_body, 0)
        pltpu.sync_copy(w_v, out_hbm.at[pl.ds(s0, CHUNK)])
        return 0

    lax.fori_loop(0, nchunk, chunk_body, 0)


def kernel(input_ids, extended_attention_mask, word_table, pos_table,
           type_table, gamma, beta):
    b, s = input_ids.shape
    n_rows = b * s
    ids3 = input_ids.reshape(NW, n_rows // (NW * CHUNK), CHUNK)
    type_row = type_table[0]

    mesh = plsc.VectorSubcoreMesh(core_axis_name="c", subcore_axis_name="s")
    run = functools.partial(
        pl.kernel,
        out_type=jax.ShapeDtypeStruct((n_rows, H), jnp.float32),
        mesh=mesh,
        compiler_params=pltpu.CompilerParams(needs_layout_passes=False),
        scratch_types=[
            pltpu.VMEM(ids3.shape[1:], jnp.int32),
            pltpu.VMEM((CHUNK, H), jnp.float32),
            pltpu.VMEM((CHUNK, H), jnp.float32),
            pltpu.VMEM((H,), jnp.float32),
            pltpu.VMEM((H,), jnp.float32),
            pltpu.VMEM((H,), jnp.float32),
            pltpu.SemaphoreType.DMA,
            pltpu.SemaphoreType.DMA,
        ],
    )(_emb_body)
    emb = run(ids3, word_table, pos_table, type_row, gamma, beta)
    return emb.reshape(b, s, H), extended_attention_mask

# --- scband reference (transcript-rebuilt; emitter-appended) ---
"""Pipeline reference for scband-emb-wrapper-70781061038480 (READ-ONLY COPY).

The authoritative reference and input builder live on the scoring server;
editing this copy changes nothing except your own understanding.
"""

import jax, jax.numpy as jnp
import numpy as np

VOCAB = 30522
HID = 768
MAX_POS = 2048
TYPE_VOCAB = 2
B = 4
S = 2048
EPS = 1e-12


def setup_inputs(seed: int = 0) -> dict:
    key = jax.random.key(seed)
    k1, k2, k3, k4 = jax.random.split(key, 4)
    input_ids = jax.random.randint(k1, (B, S), 0, VOCAB, dtype=jnp.int64 if jax.config.jax_enable_x64 else jnp.int32).astype(jnp.int32)
    extended_attention_mask = jnp.zeros((B, 1, 1, S), dtype=jnp.float32)
    word_table = jax.random.normal(k2, (VOCAB, HID), dtype=jnp.float32) * 0.02
    pos_table = jax.random.normal(k3, (MAX_POS, HID), dtype=jnp.float32) * 0.02
    type_table = jax.random.normal(k4, (TYPE_VOCAB, HID), dtype=jnp.float32) * 0.02
    gamma = jnp.ones((HID,), dtype=jnp.float32)
    beta = jnp.zeros((HID,), dtype=jnp.float32)
    return {
        "input_ids": input_ids,
        "extended_attention_mask": extended_attention_mask,
        "word_table": word_table,
        "pos_table": pos_table,
        "type_table": type_table,
        "gamma": gamma,
        "beta": beta,
    }


def reference(input_ids, extended_attention_mask, word_table, pos_table, type_table, gamma, beta):
    # BERT-style embeddings: word + position + token_type, then LayerNorm.
    seq_len = input_ids.shape[1]
    word_emb = jnp.take(word_table, input_ids, axis=0)  # gather [B, S, H]
    positions = jnp.arange(seq_len)
    pos_emb = jnp.take(pos_table, positions, axis=0)[None, :, :]  # [1, S, H]
    token_type_ids = jnp.zeros_like(input_ids)
    type_emb = jnp.take(type_table, token_type_ids, axis=0)  # [B, S, H]
    emb = word_emb + pos_emb + type_emb
    mean = jnp.mean(emb, axis=-1, keepdims=True)
    var = jnp.mean((emb - mean) ** 2, axis=-1, keepdims=True)
    emb = (emb - mean) / jnp.sqrt(var + EPS)
    emb = emb * gamma + beta
    return (emb, extended_attention_mask)

if __name__ == "__main__":
    import jax
    _d = setup_inputs()
    print(jax.jit(kernel)(*tuple(_d.values())))

</pallas_src>

<mosaic_0001>
#map = affine_map<(d0, d1) -> (0, 0, 0)>
#map1 = affine_map<(d0, d1) -> (0, 0)>
#map2 = affine_map<(d0, d1) -> (0)>
module attributes {stable_mosaic.version = 14 : i64} {
  func.func @_emb_body(%arg0: i32, %arg1: i32, %arg2: memref<32x8x32xi32, #tpu.memory_space<hbm>>, %arg3: memref<30522x768xf32, #tpu.memory_space<hbm>>, %arg4: memref<2048x768xf32, #tpu.memory_space<hbm>>, %arg5: memref<768xf32, #tpu.memory_space<hbm>>, %arg6: memref<768xf32, #tpu.memory_space<hbm>>, %arg7: memref<768xf32, #tpu.memory_space<hbm>>, %arg8: memref<8192x768xf32, #tpu.memory_space<hbm>>, %arg9: memref<8x32xi32, #tpu.memory_space<vmem>>, %arg10: memref<32x768xf32, #tpu.memory_space<vmem>>, %arg11: memref<32x768xf32, #tpu.memory_space<vmem>>, %arg12: memref<768xf32, #tpu.memory_space<vmem>>, %arg13: memref<768xf32, #tpu.memory_space<vmem>>, %arg14: memref<768xf32, #tpu.memory_space<vmem>>, %arg15: memref<!tpu.dma_semaphore, #tpu.memory_space<semaphore_mem>>, %arg16: memref<!tpu.dma_semaphore, #tpu.memory_space<semaphore_mem>>) attributes {dimension_semantics = [#tpu.dimension_semantics<core_parallel>, #tpu.dimension_semantics<subcore_parallel>], iteration_bounds = array<i64: 2, 16>, scalar_prefetch = 0 : i64, scratch_operands = 8 : i64, tpu.core_type = #tpu.core_type<sc_vector_subcore>, window_params = [{transform_indices = #map}, {transform_indices = #map1}, {transform_indices = #map1}, {transform_indices = #map2}, {transform_indices = #map2}, {transform_indices = #map2}, {transform_indices = #map1}]} {
    %mul3A = arith.constant 2 : i32
    %mul3A_0 = arith.muli %arg1, %mul3A : i32
    %add3A = arith.addi %mul3A_0, %arg0 : i32
    %mul3A_1 = arith.constant 256 : i32
    %mul3A_2 = arith.muli %add3A, %mul3A_1 : i32
    "tpu.region"() ({
      %run_scoped3A = tpu.sem_alloc : memref<!tpu.dma_semaphore, #tpu.memory_space<semaphore_mem>>
      %dma_start3A = arith.constant 0 : i32
      %dma_start3A_9 = arith.constant 0 : i32
      %dma_start3A_10 = tpu.memref_slice %arg2[%add3A, %dma_start3A, %dma_start3A_9] : memref<32x8x32xi32, #tpu.memory_space<hbm>> -> memref<1x8x32xi32, #tpu.memory_space<hbm>>
      %dma_start3A_11 = tpu.memref_squeeze %dma_start3A_10 : memref<1x8x32xi32, #tpu.memory_space<hbm>> -> memref<8x32xi32, #tpu.memory_space<hbm>>
      %dma_start3A_12 = arith.constant 0 : i32
      %dma_start3A_13 = arith.constant 0 : i32
      %dma_start3A_14 = tpu.memref_slice %arg2[%add3A, %dma_start3A_12, %dma_start3A_13] : memref<32x8x32xi32, #tpu.memory_space<hbm>> -> memref<1x8x32xi32, #tpu.memory_space<hbm>>
      %dma_start3A_15 = tpu.memref_squeeze %dma_start3A_14 : memref<1x8x32xi32, #tpu.memory_space<hbm>> -> memref<8x32xi32, #tpu.memory_space<hbm>>
      tpu.enqueue_dma source(%dma_start3A_15 : memref<8x32xi32, #tpu.memory_space<hbm>>) target(%arg9 : memref<8x32xi32, #tpu.memory_space<vmem>>) target_semaphore(%run_scoped3A : memref<!tpu.dma_semaphore, #tpu.memory_space<semaphore_mem>>)
      %dma_wait3A = arith.constant 0 : i32
      %dma_wait3A_16 = arith.constant 0 : i32
      %dma_wait3A_17 = tpu.memref_slice %arg2[%add3A, %dma_wait3A, %dma_wait3A_16] : memref<32x8x32xi32, #tpu.memory_space<hbm>> -> memref<1x8x32xi32, #tpu.memory_space<hbm>>
      %dma_wait3A_18 = tpu.memref_squeeze %dma_wait3A_17 : memref<1x8x32xi32, #tpu.memory_space<hbm>> -> memref<8x32xi32, #tpu.memory_space<hbm>>
      %dma_wait3A_19 = arith.constant 0 : i32
      %dma_wait3A_20 = arith.constant 0 : i32
      %dma_wait3A_21 = tpu.memref_slice %arg2[%add3A, %dma_wait3A_19, %dma_wait3A_20] : memref<32x8x32xi32, #tpu.memory_space<hbm>> -> memref<1x8x32xi32, #tpu.memory_space<hbm>>
      %dma_wait3A_22 = tpu.memref_squeeze %dma_wait3A_21 : memref<1x8x32xi32, #tpu.memory_space<hbm>> -> memref<8x32xi32, #tpu.memory_space<hbm>>
      tpu.wait_dma2 semaphore(%run_scoped3A : memref<!tpu.dma_semaphore, #tpu.memory_space<semaphore_mem>>) src(%dma_wait3A_22 : memref<8x32xi32, #tpu.memory_space<hbm>>) dst(%arg9 : memref<8x32xi32, #tpu.memory_space<vmem>>)
      tpu.yield
    }) : () -> ()
    "tpu.region"() ({
      %run_scoped3A = tpu.sem_alloc : memref<!tpu.dma_semaphore, #tpu.memory_space<semaphore_mem>>
      tpu.enqueue_dma source(%arg5 : memref<768xf32, #tpu.memory_space<hbm>>) target(%arg12 : memref<768xf32, #tpu.memory_space<vmem>>) target_semaphore(%run_scoped3A : memref<!tpu.dma_semaphore, #tpu.memory_space<semaphore_mem>>)
      tpu.wait_dma2 semaphore(%run_scoped3A : memref<!tpu.dma_semaphore, #tpu.memory_space<semaphore_mem>>) src(%arg5 : memref<768xf32, #tpu.memory_space<hbm>>) dst(%arg12 : memref<768xf32, #tpu.memory_space<vmem>>)
      tpu.yield
    }) : () -> ()
    "tpu.region"() ({
      %run_scoped3A = tpu.sem_alloc : memref<!tpu.dma_semaphore, #tpu.memory_space<semaphore_mem>>
      tpu.enqueue_dma source(%arg6 : memref<768xf32, #tpu.memory_space<hbm>>) target(%arg13 : memref<768xf32, #tpu.memory_space<vmem>>) target_semaphore(%run_scoped3A : memref<!tpu.dma_semaphore, #tpu.memory_space<semaphore_mem>>)
      tpu.wait_dma2 semaphore(%run_scoped3A : memref<!tpu.dma_semaphore, #tpu.memory_space<semaphore_mem>>) src(%arg6 : memref<768xf32, #tpu.memory_space<hbm>>) dst(%arg13 : memref<768xf32, #tpu.memory_space<vmem>>)
      tpu.yield
    }) : () -> ()
    "tpu.region"() ({
      %run_scoped3A = tpu.sem_alloc : memref<!tpu.dma_semaphore, #tpu.memory_space<semaphore_mem>>
      tpu.enqueue_dma source(%arg7 : memref<768xf32, #tpu.memory_space<hbm>>) target(%arg14 : memref<768xf32, #tpu.memory_space<vmem>>) target_semaphore(%run_scoped3A : memref<!tpu.dma_semaphore, #tpu.memory_space<semaphore_mem>>)
      tpu.wait_dma2 semaphore(%run_scoped3A : memref<!tpu.dma_semaphore, #tpu.memory_space<semaphore_mem>>) src(%arg7 : memref<768xf32, #tpu.memory_space<hbm>>) dst(%arg14 : memref<768xf32, #tpu.memory_space<vmem>>)
      tpu.yield
    }) : () -> ()
    %scan3A = arith.constant 0 : i32
    %scan3A_3 = arith.constant 0 : i32
    %scan3A_4 = arith.constant 8 : i32
    %scan3A_5 = arith.addi %scan3A_3, %scan3A_4 : i32
    %scan3A_6 = arith.constant 1 : i32
    %scan3A_7 = scf.for %scan3A_9 = %scan3A_3 to %scan3A_5 step %scan3A_6 iter_args(%scan3A_10 = %scan3A) -> (i32)  : i32 {
      %mul3A_11 = arith.constant 32 : i32
      %mul3A_12 = arith.muli %scan3A_9, %mul3A_11 : i32
      %add3A_13 = arith.addi %mul3A_2, %mul3A_12 : i32
      %rem3A = arith.constant 2048 : i32
      %rem3A_14 = arith.remsi %add3A_13, %rem3A : i32
      %dma_start3A = arith.constant 0 : i32
      %dma_start3A_15 = tpu.memref_slice %arg9[%scan3A_9, %dma_start3A] : memref<8x32xi32, #tpu.memory_space<vmem>> -> memref<1x32xi32, #tpu.memory_space<vmem>>
      %dma_start3A_16 = tpu.memref_squeeze %dma_start3A_15 : memref<1x32xi32, #tpu.memory_space<vmem>> -> memref<32xi32, #tpu.memory_space<vmem>>
      %dma_start3A_17 = arith.constant 0 : i32
      %dma_start3A_18 = arith.constant 0 : i32
      %dma_start3A_19 = tpu.memref_slice %arg3[%dma_start3A_17, %dma_start3A_18] : memref<30522x768xf32, #tpu.memory_space<hbm>> -> memref<30522x768xf32, #tpu.memory_space<hbm>>
      tpu.enqueue_indirect_dma source(%dma_start3A_19 : memref<30522x768xf32, #tpu.memory_space<hbm>>) target(%arg10 : memref<32x768xf32, #tpu.memory_space<vmem>>) offsets(%dma_start3A_16 : memref<32xi32, #tpu.memory_space<vmem>>) semaphore(%arg15 : memref<!tpu.dma_semaphore, #tpu.memory_space<semaphore_mem>>)
      %dma_start3A_20 = arith.constant 0 : i32
      %dma_start3A_21 = tpu.memref_slice %arg4[%rem3A_14, %dma_start3A_20] : memref<2048x768xf32, #tpu.memory_space<hbm>> -> memref<32x768xf32, #tpu.memory_space<hbm>>
      %dma_start3A_22 = arith.constant 0 : i32
      %dma_start3A_23 = tpu.memref_slice %arg4[%rem3A_14, %dma_start3A_22] : memref<2048x768xf32, #tpu.memory_space<hbm>> -> memref<32x768xf32, #tpu.memory_space<hbm>>
      tpu.enqueue_dma source(%dma_start3A_23 : memref<32x768xf32, #tpu.memory_space<hbm>>) target(%arg11 : memref<32x768xf32, #tpu.memory_space<vmem>>) target_semaphore(%arg16 : memref<!tpu.dma_semaphore, #tpu.memory_space<semaphore_mem>>)
      %dma_wait3A = arith.constant 0 : i32
      %dma_wait3A_24 = tpu.memref_slice %arg9[%scan3A_9, %dma_wait3A] : memref<8x32xi32, #tpu.memory_space<vmem>> -> memref<1x32xi32, #tpu.memory_space<vmem>>
      %dma_wait3A_25 = tpu.memref_squeeze %dma_wait3A_24 : memref<1x32xi32, #tpu.memory_space<vmem>> -> memref<32xi32, #tpu.memory_space<vmem>>
      %dma_wait3A_26 = arith.constant 0 : i32
      %dma_wait3A_27 = arith.constant 0 : i32
      %dma_wait3A_28 = tpu.memref_slice %arg3[%dma_wait3A_26, %dma_wait3A_27] : memref<30522x768xf32, #tpu.memory_space<hbm>> -> memref<30522x768xf32, #tpu.memory_space<hbm>>
      tpu.wait_indirect_dma semaphore(%arg15 : memref<!tpu.dma_semaphore, #tpu.memory_space<semaphore_mem>>) src(%dma_wait3A_28 : memref<30522x768xf32, #tpu.memory_space<hbm>>) dst(%arg10 : memref<32x768xf32, #tpu.memory_space<vmem>>)
      %dma_wait3A_29 = arith.constant 0 : i32
      %dma_wait3A_30 = tpu.memref_slice %arg4[%rem3A_14, %dma_wait3A_29] : memref<2048x768xf32, #tpu.memory_space<hbm>> -> memref<32x768xf32, #tpu.memory_space<hbm>>
      %dma_wait3A_31 = arith.constant 0 : i32
      %dma_wait3A_32 = tpu.memref_slice %arg4[%rem3A_14, %dma_wait3A_31] : memref<2048x768xf32, #tpu.memory_space<hbm>> -> memref<32x768xf32, #tpu.memory_space<hbm>>
      tpu.wait_dma2 semaphore(%arg16 : memref<!tpu.dma_semaphore, #tpu.memory_space<semaphore_mem>>) src(%dma_wait3A_32 : memref<32x768xf32, #tpu.memory_space<hbm>>) dst(%arg11 : memref<32x768xf32, #tpu.memory_space<vmem>>)
      %scan3A_33 = arith.constant 0 : i32
      %scan3A_34 = arith.constant 0 : i32
      %scan3A_35 = arith.constant 32 : i32
      %scan3A_36 = arith.addi %scan3A_34, %scan3A_35 : i32
      %scan3A_37 = arith.constant 1 : i32
      %scan3A_38 = scf.for %scan3A_41 = %scan3A_34 to %scan3A_36 step %scan3A_37 iter_args(%scan3A_42 = %scan3A_33) -> (i32)  : i32 {
        %broadcast_in_dim3A = arith.constant 0.000000e+00 : f32
        %broadcast_in_dim3A_43 = vector.broadcast %broadcast_in_dim3A : f32 to vector<16xf32>
        %scan3A_44 = arith.constant 0 : i32
        %scan3A_45 = arith.constant 48 : i32
        %scan3A_46 = arith.addi %scan3A_44, %scan3A_45 : i32
        %scan3A_47 = arith.constant 1 : i32
        %scan3A_48:2 = scf.for %scan3A_156 = %scan3A_44 to %scan3A_46 step %scan3A_47 iter_args(%scan3A_157 = %broadcast_in_dim3A_43, %scan3A_158 = %broadcast_in_dim3A_43) -> (vector<16xf32>, vector<16xf32>)  : i32 {
          %mul3A_159 = arith.constant 16 : i32
          %mul3A_160 = arith.muli %scan3A_156, %mul3A_159 : i32
          %get3A = arith.index_cast %scan3A_41 : i32 to index
          %get3A_161 = arith.index_cast %mul3A_160 : i32 to index
          %get3A_162 = tpu.vector_load %arg10[%get3A, %get3A_161] {strides = array<i32>} : memref<32x768xf32, #tpu.memory_space<vmem>>, vector<16xf32>,
          %get3A_163 = arith.index_cast %scan3A_41 : i32 to index
          %get3A_164 = arith.index_cast %mul3A_160 : i32 to index
          %get3A_165 = tpu.vector_load %arg11[%get3A_163, %get3A_164] {strides = array<i32>} : memref<32x768xf32, #tpu.memory_space<vmem>>, vector<16xf32>,
          %add3A_166 = arith.addf %get3A_162, %get3A_165 : vector<16xf32>
          %get3A_167 = arith.index_cast %mul3A_160 : i32 to index
          %get3A_168 = tpu.vector_load %arg12[%get3A_167] {strides = array<i32>} : memref<768xf32, #tpu.memory_space<vmem>>, vector<16xf32>,
          %add3A_169 = arith.addf %add3A_166, %get3A_168 : vector<16xf32>
          %swap3A = arith.index_cast %scan3A_41 : i32 to index
          %swap3A_170 = arith.index_cast %mul3A_160 : i32 to index
          %swap3A_171 = tpu.vector_load %arg10[%swap3A, %swap3A_170] {strides = array<i32>} : memref<32x768xf32, #tpu.memory_space<vmem>>, vector<16xf32>,
          tpu.vector_store %arg10[%swap3A, %swap3A_170], %add3A_169 {strides = array<i32>} : memref<32x768xf32, #tpu.memory_space<vmem>>, vector<16xf32>,
          %add3A_172 = arith.addf %scan3A_157, %add3A_169 : vector<16xf32>
          %mul3A_173 = arith.mulf %add3A_169, %add3A_169 : vector<16xf32>
          %add3A_174 = arith.addf %scan3A_158, %mul3A_173 : vector<16xf32>
          scf.yield %add3A_172, %add3A_174 : vector<16xf32>, vector<16xf32>
        }
        %scan3A_49 = arith.constant 48 : i32
        %iota3A = tpu.iota {dimensions = array<i32: 0>} : vector<16xi32>
        %xor3A = arith.constant 8 : i32
        %xor3A_50 = vector.broadcast %xor3A : i32 to vector<16xi32>
        %xor3A_51 = arith.xori %iota3A, %xor3A_50 : vector<16xi32>
        %broadcast_in_dim3A_52 = vector.shape_cast %xor3A_51 : vector<16xi32> to vector<16x1xi32>
        %gather3A = vector.shape_cast %broadcast_in_dim3A_52 : vector<16x1xi32> to vector<16xi32>
        %gather3A_53 = tpu.dynamic_gather %scan3A_48#0[%gather3A] in [0] : vector<16xf32>, vector<16xi32> -> vector<16xf32>
        %add3A_54 = arith.addf %scan3A_48#0, %gather3A_53 : vector<16xf32>
        %xor3A_55 = arith.constant 4 : i32
        %xor3A_56 = vector.broadcast %xor3A_55 : i32 to vector<16xi32>
        %xor3A_57 = arith.xori %iota3A, %xor3A_56 : vector<16xi32>
        %broadcast_in_dim3A_58 = vector.shape_cast %xor3A_57 : vector<16xi32> to vector<16x1xi32>
        %gather3A_59 = vector.shape_cast %broadcast_in_dim3A_58 : vector<16x1xi32> to vector<16xi32>
        %gather3A_60 = tpu.dynamic_gather %add3A_54[%gather3A_59] in [0] : vector<16xf32>, vector<16xi32> -> vector<16xf32>
        %add3A_61 = arith.addf %add3A_54, %gather3A_60 : vector<16xf32>
        %xor3A_62 = arith.constant 2 : i32
        %xor3A_63 = vector.broadcast %xor3A_62 : i32 to vector<16xi32>
        %xor3A_64 = arith.xori %iota3A, %xor3A_63 : vector<16xi32>
        %broadcast_in_dim3A_65 = vector.shape_cast %xor3A_64 : vector<16xi32> to vector<16x1xi32>
        %gather3A_66 = vector.shape_cast %broadcast_in_dim3A_65 : vector<16x1xi32> to vector<16xi32>
        %gather3A_67 = tpu.dynamic_gather %add3A_61[%gather3A_66] in [0] : vector<16xf32>, vector<16xi32> -> vector<16xf32>
        %add3A_68 = arith.addf %add3A_61, %gather3A_67 : vector<16xf32>
        %xor3A_69 = arith.constant 1 : i32
        %xor3A_70 = vector.broadcast %xor3A_69 : i32 to vector<16xi32>
        %xor3A_71 = arith.xori %iota3A, %xor3A_70 : vector<16xi32>
        %broadcast_in_dim3A_72 = vector.shape_cast %xor3A_71 : vector<16xi32> to vector<16x1xi32>
        %gather3A_73 = vector.shape_cast %broadcast_in_dim3A_72 : vector<16x1xi32> to vector<16xi32>
        %gather3A_74 = tpu.dynamic_gather %add3A_68[%gather3A_73] in [0] : vector<16xf32>, vector<16xi32> -> vector<16xf32>
        %add3A_75 = arith.addf %add3A_68, %gather3A_74 : vector<16xf32>
        %iota3A_76 = tpu.iota {dimensions = array<i32: 0>} : vector<16xi32>
        %xor3A_77 = arith.constant 8 : i32
        %xor3A_78 = vector.broadcast %xor3A_77 : i32 to vector<16xi32>
        %xor3A_79 = arith.xori %iota3A_76, %xor3A_78 : vector<16xi32>
        %broadcast_in_dim3A_80 = vector.shape_cast %xor3A_79 : vector<16xi32> to vector<16x1xi32>
        %gather3A_81 = vector.shape_cast %broadcast_in_dim3A_80 : vector<16x1xi32> to vector<16xi32>
        %gather3A_82 = tpu.dynamic_gather %scan3A_48#1[%gather3A_81] in [0] : vector<16xf32>, vector<16xi32> -> vector<16xf32>
        %add3A_83 = arith.addf %scan3A_48#1, %gather3A_82 : vector<16xf32>
        %xor3A_84 = arith.constant 4 : i32
        %xor3A_85 = vector.broadcast %xor3A_84 : i32 to vector<16xi32>
        %xor3A_86 = arith.xori %iota3A_76, %xor3A_85 : vector<16xi32>
        %broadcast_in_dim3A_87 = vector.shape_cast %xor3A_86 : vector<16xi32> to vector<16x1xi32>
        %gather3A_88 = vector.shape_cast %broadcast_in_dim3A_87 : vector<16x1xi32> to vector<16xi32>
        %gather3A_89 = tpu.dynamic_gather %add3A_83[%gather3A_88] in [0] : vector<16xf32>, vector<16xi32> -> vector<16xf32>
        %add3A_90 = arith.addf %add3A_83, %gather3A_89 : vector<16xf32>
        %xor3A_91 = arith.constant 2 : i32
        %xor3A_92 = vector.broadcast %xor3A_91 : i32 to vector<16xi32>
        %xor3A_93 = arith.xori %iota3A_76, %xor3A_92 : vector<16xi32>
        %broadcast_in_dim3A_94 = vector.shape_cast %xor3A_93 : vector<16xi32> to vector<16x1xi32>
        %gather3A_95 = vector.shape_cast %broadcast_in_dim3A_94 : vector<16x1xi32> to vector<16xi32>
        %gather3A_96 = tpu.dynamic_gather %add3A_90[%gather3A_95] in [0] : vector<16xf32>, vector<16xi32> -> vector<16xf32>
        %add3A_97 = arith.addf %add3A_90, %gather3A_96 : vector<16xf32>
        %xor3A_98 = arith.constant 1 : i32
        %xor3A_99 = vector.broadcast %xor3A_98 : i32 to vector<16xi32>
        %xor3A_100 = arith.xori %iota3A_76, %xor3A_99 : vector<16xi32>
        %broadcast_in_dim3A_101 = vector.shape_cast %xor3A_100 : vector<16xi32> to vector<16x1xi32>
        %gather3A_102 = vector.shape_cast %broadcast_in_dim3A_101 : vector<16x1xi32> to vector<16xi32>
        %gather3A_103 = tpu.dynamic_gather %add3A_97[%gather3A_102] in [0] : vector<16xf32>, vector<16xi32> -> vector<16xf32>
        %add3A_104 = arith.addf %add3A_97, %gather3A_103 : vector<16xf32>
        %mul3A_105 = arith.constant 0.00130208337 : f32
        %mul3A_106 = vector.broadcast %mul3A_105 : f32 to vector<16xf32>
        %mul3A_107 = arith.mulf %add3A_75, %mul3A_106 : vector<16xf32>
        %mul3A_108 = arith.constant 0.00130208337 : f32
        %mul3A_109 = vector.broadcast %mul3A_108 : f32 to vector<16xf32>
        %mul3A_110 = arith.mulf %add3A_104, %mul3A_109 : vector<16xf32>
        %mul3A_111 = arith.mulf %mul3A_107, %mul3A_107 : vector<16xf32>
        %sub3A = arith.subf %mul3A_110, %mul3A_111 : vector<16xf32>
        %add3A_112 = arith.constant 9.99999996E-13 : f32
        %add3A_113 = vector.broadcast %add3A_112 : f32 to vector<16xf32>
        %add3A_114 = arith.addf %sub3A, %add3A_113 : vector<16xf32>
        %bitcast3A = vector.bitcast %add3A_114 : vector<16xf32> to vector<16xi32>
        %shift_right_logical3A = arith.constant 1 : i32
        %shift_right_logical3A_115 = vector.broadcast %shift_right_logical3A : i32 to vector<16xi32>
        %shift_right_logical3A_116 = arith.shrui %bitcast3A, %shift_right_logical3A_115 : vector<16xi32>
        %sub3A_117 = arith.constant 1597463007 : i32
        %sub3A_118 = vector.broadcast %sub3A_117 : i32 to vector<16xi32>
        %sub3A_119 = arith.subi %sub3A_118, %shift_right_logical3A_116 : vector<16xi32>
        %bitcast3A_120 = vector.bitcast %sub3A_119 : vector<16xi32> to vector<16xf32>
        %mul3A_121 = arith.constant 5.000000e-01 : f32
        %mul3A_122 = vector.broadcast %mul3A_121 : f32 to vector<16xf32>
        %mul3A_123 = arith.mulf %mul3A_122, %add3A_114 : vector<16xf32>
        %mul3A_124 = arith.mulf %mul3A_123, %bitcast3A_120 : vector<16xf32>
        %mul3A_125 = arith.mulf %mul3A_124, %bitcast3A_120 : vector<16xf32>
        %sub3A_126 = arith.constant 1.500000e+00 : f32
        %sub3A_127 = vector.broadcast %sub3A_126 : f32 to vector<16xf32>
        %sub3A_128 = arith.subf %sub3A_127, %mul3A_125 : vector<16xf32>
        %mul3A_129 = arith.mulf %bitcast3A_120, %sub3A_128 : vector<16xf32>
        %mul3A_130 = arith.constant 5.000000e-01 : f32
        %mul3A_131 = vector.broadcast %mul3A_130 : f32 to vector<16xf32>
        %mul3A_132 = arith.mulf %mul3A_131, %add3A_114 : vector<16xf32>
        %mul3A_133 = arith.mulf %mul3A_132, %mul3A_129 : vector<16xf32>
        %mul3A_134 = arith.mulf %mul3A_133, %mul3A_129 : vector<16xf32>
        %sub3A_135 = arith.constant 1.500000e+00 : f32
        %sub3A_136 = vector.broadcast %sub3A_135 : f32 to vector<16xf32>
        %sub3A_137 = arith.subf %sub3A_136, %mul3A_134 : vector<16xf32>
        %mul3A_138 = arith.mulf %mul3A_129, %sub3A_137 : vector<16xf32>
        %mul3A_139 = arith.constant 5.000000e-01 : f32
        %mul3A_140 = vector.broadcast %mul3A_139 : f32 to vector<16xf32>
        %mul3A_141 = arith.mulf %mul3A_140, %add3A_114 : vector<16xf32>
        %mul3A_142 = arith.mulf %mul3A_141, %mul3A_138 : vector<16xf32>
        %mul3A_143 = arith.mulf %mul3A_142, %mul3A_138 : vector<16xf32>
        %sub3A_144 = arith.constant 1.500000e+00 : f32
        %sub3A_145 = vector.broadcast %sub3A_144 : f32 to vector<16xf32>
        %sub3A_146 = arith.subf %sub3A_145, %mul3A_143 : vector<16xf32>
        %mul3A_147 = arith.mulf %mul3A_138, %sub3A_146 : vector<16xf32>
        %scan3A_148 = arith.constant 0 : i32
        %scan3A_149 = arith.constant 0 : i32
        %scan3A_150 = arith.constant 48 : i32
        %scan3A_151 = arith.addi %scan3A_149, %scan3A_150 : i32
        %scan3A_152 = arith.constant 1 : i32
        %scan3A_153 = scf.for %scan3A_156 = %scan3A_149 to %scan3A_151 step %scan3A_152 iter_args(%scan3A_157 = %scan3A_148) -> (i32)  : i32 {
          %mul3A_158 = arith.constant 16 : i32
          %mul3A_159 = arith.muli %scan3A_156, %mul3A_158 : i32
          %get3A = arith.index_cast %scan3A_41 : i32 to index
          %get3A_160 = arith.index_cast %mul3A_159 : i32 to index
          %get3A_161 = tpu.vector_load %arg10[%get3A, %get3A_160] {strides = array<i32>} : memref<32x768xf32, #tpu.memory_space<vmem>>, vector<16xf32>,
          %sub3A_162 = arith.subf %get3A_161, %mul3A_107 : vector<16xf32>
          %mul3A_163 = arith.mulf %sub3A_162, %mul3A_147 : vector<16xf32>
          %get3A_164 = arith.index_cast %mul3A_159 : i32 to index
          %get3A_165 = tpu.vector_load %arg13[%get3A_164] {strides = array<i32>} : memref<768xf32, #tpu.memory_space<vmem>>, vector<16xf32>,
          %mul3A_166 = arith.mulf %mul3A_163, %get3A_165 : vector<16xf32>
          %get3A_167 = arith.index_cast %mul3A_159 : i32 to index
          %get3A_168 = tpu.vector_load %arg14[%get3A_167] {strides = array<i32>} : memref<768xf32, #tpu.memory_space<vmem>>, vector<16xf32>,
          %add3A_169 = arith.addf %mul3A_166, %get3A_168 : vector<16xf32>
          %swap3A = arith.index_cast %scan3A_41 : i32 to index
          %swap3A_170 = arith.index_cast %mul3A_159 : i32 to index
          %swap3A_171 = tpu.vector_load %arg10[%swap3A, %swap3A_170] {strides = array<i32>} : memref<32x768xf32, #tpu.memory_space<vmem>>, vector<16xf32>,
          tpu.vector_store %arg10[%swap3A, %swap3A_170], %add3A_169 {strides = array<i32>} : memref<32x768xf32, #tpu.memory_space<vmem>>, vector<16xf32>,
          %scan3A_172 = arith.constant 0 : i32
          scf.yield %scan3A_172 : i32
        }
        %scan3A_154 = arith.constant 48 : i32
        %scan3A_155 = arith.constant 0 : i32
        scf.yield %scan3A_155 : i32
      }
      %scan3A_39 = arith.constant 32 : i32
      "tpu.region"() ({
        %run_scoped3A = tpu.sem_alloc : memref<!tpu.dma_semaphore, #tpu.memory_space<semaphore_mem>>
        %dma_start3A_41 = arith.constant 0 : i32
        %dma_start3A_42 = tpu.memref_slice %arg8[%add3A_13, %dma_start3A_41] : memref<8192x768xf32, #tpu.memory_space<hbm>> -> memref<32x768xf32, #tpu.memory_space<hbm>>
        %dma_start3A_43 = arith.constant 0 : i32
        %dma_start3A_44 = tpu.memref_slice %arg8[%add3A_13, %dma_start3A_43] : memref<8192x768xf32, #tpu.memory_space<hbm>> -> memref<32x768xf32, #tpu.memory_space<hbm>>
        tpu.enqueue_dma source(%arg10 : memref<32x768xf32, #tpu.memory_space<vmem>>) target(%dma_start3A_44 : memref<32x768xf32, #tpu.memory_space<hbm>>) target_semaphore(%run_scoped3A : memref<!tpu.dma_semaphore, #tpu.memory_space<semaphore_mem>>)
        %dma_wait3A_45 = arith.constant 0 : i32
        %dma_wait3A_46 = tpu.memref_slice %arg8[%add3A_13, %dma_wait3A_45] : memref<8192x768xf32, #tpu.memory_space<hbm>> -> memref<32x768xf32, #tpu.memory_space<hbm>>
        %dma_wait3A_47 = arith.constant 0 : i32
        %dma_wait3A_48 = tpu.memref_slice %arg8[%add3A_13, %dma_wait3A_47] : memref<8192x768xf32, #tpu.memory_space<hbm>> -> memref<32x768xf32, #tpu.memory_space<hbm>>
        tpu.wait_dma2 semaphore(%run_scoped3A : memref<!tpu.dma_semaphore, #tpu.memory_space<semaphore_mem>>) src(%arg10 : memref<32x768xf32, #tpu.memory_space<vmem>>) dst(%dma_wait3A_48 : memref<32x768xf32, #tpu.memory_space<hbm>>)
        tpu.yield
      }) : () -> ()
      %scan3A_40 = arith.constant 0 : i32
      scf.yield %scan3A_40 : i32
    }
    %scan3A_8 = arith.constant 8 : i32
    return
  }
}

</mosaic_0001>

<sc_bundles>
// kernel: kernel.3.cloned.1.call-start
scs
__scs_entry_jumppad:
0x0: {  	(pc) =	sbr.rel $0x88, $3  }
0x1: {  	(tag) =	ssettag $0x0;
	lr =	simm.s32 $0x1  }
0x2: {  	[smem:$0x3F9A] =	sst lr;
	_ =	strace $0xD0000000  }
0x3: {  	_ = 	snop  }
0x4: {  	_ = 	snop  }
0x5: {  	_ = 	snop  }
0x6: {  	_ = 	snop  }
0x7: {  	_ = 	snop  }
__scs_overlays_trampoline_lowered:
0x8: {  	[smem:$0x3FA9] =	sst s0  }
0x9: {  	[smem:$0x3FAA] =	sst s1  }
0xa: {  	[smem:$0x3FAB] =	sst s2  }
0xb: {  	[smem:$0x3FAC] =	sst s3  }
0xc: {  	[smem:$0x3FAD] =	sst s4  }
0xd: {  	[smem:$0x3FAE] =	sst s5  }
0xe: {  	[smem:$0x3FAF] =	sst s6  }
0xf: {  	[smem:$0x3FB0] =	sst s7  }
0x10: {  	[smem:$0x3FB1] =	sst s8  }
0x11: {  	[smem:$0x3FB2] =	sst s9;
	s0 =	simm.s32 @!p0 $0x0  }
0x12: {  	s1 =	sld [smem:$0x3F98];
	s0 =	simm.s32 @p0 $0x1  }
0x13: {  	[smem:$0x3FB3] =	sst s0;
	s0 =	simm.s32 @!p1 $0x0  }
0x14: {  	s2 =	sld [smem:$0x3F97];
	s0 =	simm.s32 @p1 $0x1  }
0x15: {  	[smem:$0x3FB4] =	sst s0;
	s0 =	simm.s32 @!p2 $0x0  }
0x16: {  	s3 =	sld [smem:$0x3FDB];
	s0 =	simm.s32 @p2 $0x1  }
0x17: {  	s4 =	simm.s32 $0x1BF5;
	[smem:$0x3FB6] =	sst s0  }
0x18: {  	s0 =	sld [smem:$0x3F99];
	_ =	swait.ge [sflag:s4], $0x0  }
0x19: {  	s7 =	sld [smem:$0x3F9A]  }
0x1a: {  	s8 =	sadd.s32 $0xFFFFE003, lr  }
0x1b: {  	s9 =	sadd.s32 $0xFFFFFEF7, lr;
	s5 =	simm.s32 $0xFFFFFFFF;
	p2 =	slt.u32 s8, $0xFFFFF086  }
0x1c: {  	p1 =	slt.u32 s9, $0xF7A;
	s5 =	simm.s32 @!p2 $0x0  }
0x1d: {  	s5 =	simm.s32 @p1 $0x1;
	p0 =	seq.s32 s7, s2  }
0x1e: {  	s7 =	smul.u32 @!p0 $0xF7A, s2;
	p2 =	seq.s32 @!p0 s5, $0x0  }
0x1f: {  	s9 =	smul.u32 $0xF7A, s1;
	s8 =	simm.s32 @!p0 $0x1BF5;
	p2 =	por !p2, p0  }
0x20: {  	[sflag:s8] =	ssyncset.s32 @!p0 $0xFFFFF086;
	s6 =	sadd.s32 @!p0 s3, s7;
	s7 =	simm.s32 @!p0 $0x108  }
0x21: {  	s3 =	sadd.s32 s3, s9;
	s6 =	sadd.s32 @!p0 $0x88, s6;
	s7 =	simm.s32 @p2 $0x1082  }
0x22: {  	[simem:s7], [sflag:s8] =	dma.local @!p0 [hbm:s6], $0xF7A  }
0x23: {  	s9 =	sor.u32 $0xD0000000, s2;
	s6 =	simm.s32 $0x108;
	_ =	swait.ge @!p0 [sflag:s8], $0x0  }
0x24: {  	s3 =	sadd.s32 $0x88, s3;
	s6 =	simm.s32 @!p1 $0x1082;
	[sflag:s4] =	ssyncset.s32 $0xFFFFF086  }
0x25: {  	[simem:s6], [sflag:s4] =	dma.local [hbm:s3], $0xF7A  }
0x26: {  	[smem:$0x3F9A] =	sst s1;
	(tag) =	ssettag s2;
	_ =	strace s9  }
0x27: {  	s1 =	sld [smem:$0x3FAA]  }
0x28: {  	s2 =	sld [smem:$0x3FAB]  }
0x29: {  	s4 =	sld [smem:$0x3FAD]  }
0x2a: {  	p0 =	seq.s32 s5, $0x0;
	s5 =	sld [smem:$0x3FAE]  }
0x2b: {  	s6 =	sld [smem:$0x3FAF]  }
0x2c: {  	s7 =	sld [smem:$0x3FB0]  }
0x2d: {  	s3 =	simm.s32 $0x108;
	s8 =	sld [smem:$0x3FB1]  }
0x2e: {  	s3 =	simm.s32 @!p0 $0x1082;
	s9 =	sld [smem:$0x3FB2]  }
0x2f: {  	lr =	sadd.s32 s0, s3;
	s0 =	sld [smem:$0x3FA9]  }
0x30: {  	s3 =	sld [smem:$0x3FAC]  }
0x31: {  	[smem:$0x3FB5] =	sst s10  }
0x32: {  	s10 =	sld [smem:$0x3FB3];
	_ =	sdelay $0x3  }
0x33: {  	p0 =	seq.s32 s10, $0x1;
	s10 =	sld [smem:$0x3FB5];
	_ =	sdelay $0x3  }
0x34: {  	[smem:$0x3FB5] =	sst s10  }
0x35: {  	s10 =	sld [smem:$0x3FB4];
	_ =	sdelay $0x3  }
0x36: {  	p1 =	seq.s32 s10, $0x1;
	s10 =	sld [smem:$0x3FB5];
	_ =	sdelay $0x3  }
0x37: {  	[smem:$0x3FB5] =	sst s10  }
0x38: {  	s10 =	sld [smem:$0x3FB6]  }
0x39: {  	_ = 	snop;
	(pc) =	sbr.ind lr, $3  }
0x3a: {  	_ = 	snop  }
0x3b: {  	_ = 	snop  }
0x3c: {  	p2 =	seq.s32 s10, $0x1;
	s10 =	sld [smem:$0x3FB5]  }
0x3d: {  	_ =	shalt  }
0x3e: {  	_ =	shalt  }
0x3f: {  	_ =	shalt  }
0x40: {  	_ =	shalt  }
0x41: {  	_ =	shalt  }
0x42: {  	_ =	shalt  }
0x43: {  	_ =	shalt  }
0x44: {  	_ =	shalt  }
0x45: {  	_ =	shalt  }
0x46: {  	_ =	shalt  }
0x47: {  	_ =	shalt  }
0x48: {  	_ =	shalt  }
0x49: {  	_ =	shalt  }
0x4a: {  	_ =	shalt  }
0x4b: {  	_ =	shalt  }
0x4c: {  	_ =	shalt  }
0x4d: {  	_ =	shalt  }
0x4e: {  	_ =	shalt  }
0x4f: {  	_ =	shalt  }
0x50: {  	_ =	shalt  }
0x51: {  	_ =	shalt  }
0x52: {  	_ =	shalt  }
0x53: {  	_ =	shalt  }
0x54: {  	_ =	shalt  }
0x55: {  	_ =	shalt  }
0x56: {  	_ =	shalt  }
0x57: {  	_ =	shalt  }
0x58: {  	_ =	shalt  }
0x59: {  	_ =	shalt  }
0x5a: {  	_ =	shalt  }
0x5b: {  	_ =	shalt  }
0x5c: {  	_ =	shalt  }
0x5d: {  	_ =	shalt  }
0x5e: {  	_ =	shalt  }
0x5f: {  	_ =	shalt  }
0x60: {  	_ =	shalt  }
0x61: {  	_ =	shalt  }
0x62: {  	_ =	shalt  }
0x63: {  	_ =	shalt  }
0x64: {  	_ =	shalt  }
0x65: {  	_ =	shalt  }
0x66: {  	_ =	shalt  }
0x67: {  	_ =	shalt  }
0x68: {  	_ =	shalt  }
0x69: {  	_ =	shalt  }
0x6a: {  	_ =	shalt  }
0x6b: {  	_ =	shalt  }
0x6c: {  	_ =	shalt  }
0x6d: {  	_ =	shalt  }
0x6e: {  	_ =	shalt  }
0x6f: {  	_ =	shalt  }
0x70: {  	_ =	shalt  }
0x71: {  	_ =	shalt  }
0x72: {  	_ =	shalt  }
0x73: {  	_ =	shalt  }
0x74: {  	_ =	shalt  }
0x75: {  	_ =	shalt  }
0x76: {  	_ =	shalt  }
0x77: {  	_ =	shalt  }
0x78: {  	_ =	shalt  }
0x79: {  	_ =	shalt  }
0x7a: {  	_ =	shalt  }
0x7b: {  	_ =	shalt  }
0x7c: {  	_ =	shalt  }
0x7d: {  	_ =	shalt  }
0x7e: {  	_ =	shalt  }
0x7f: {  	_ =	shalt  }
0x80: {  	_ =	shalt  }
0x81: {  	_ =	shalt  }
0x82: {  	_ =	shalt  }
0x83: {  	_ =	shalt  }
0x84: {  	_ =	shalt  }
0x85: {  	_ =	shalt  }
0x86: {  	_ =	shalt  }
0x87: {  	_ =	shalt  }
.Lfunc_end0:
.L_simem_size_0:
called_computation_lowered:
.L_overlay_start_0:
0x88: {  	s2 =	sld [smem:$0x3FD9]  }
0x89: {  	s3 =	sld [smem:$0x3FFE];
	_ =	sdelay $0x1  }
0x8a: {  	s1 =	srdreg.scid  }
0x8b: {  	s0 =	sand.u32 $0x1, s1  }
0x8c: {  	s14 =	sshll.u32 s0, $0xA;
	s2 =	sadd.s32 s3, s2  }
0x8d: {  	s2 =	sadd.s32 s2, s14  }
0x8e: {  	[smem:$0x3FC1] =	sst s2  }
0x8f: {  	_ = 	snop  }
0x90: {  	s2 =	sld [smem:$0x3FC7]  }
0x91: {  	s15 =	sld [smem:$0x3FD0]  }
0x92: {  	s4 =	sld [smem:$0x3FC6]  }
0x93: {  	s5 =	sld [smem:$0x3FC4]  }
0x94: {  	s7 =	simm.s32 $0xA;
	s8 =	simm.s32 $0x10;
	s6 =	sld [smem:$0x3FC3]  }
0x95: {  	[smem:s8], [sflag:s7] =	dma.local [hbm:s15], $0x1  }
0x96: {  	_ =	swait.eq [sflag:s7], $0x1  }
0x97: {  	[sflag:s7] =	ssyncset.done $0x0  }
0x98: {  	s16 =	sld [smem:$0x10];
	[sflag:s7] =	ssyncadd.s32 $0xFFFFFFFF  }
0x99: {  	s17 =	sld [smem:$0x11];
	(tm) =	ssettm $0x1  }
0x9a: {  	s18 =	sld [smem:$0x3FFB];
	_ =	sdelay $0x3  }
0x9b: {  	_ =	strace s18  }
0x9c: {  	s8 =	sld [smem:$0x3FFC];
	_ =	sdelay $0x3  }
0x9d: {  	_ =	strace s8  }
0x9e: {  	s8 =	sld [smem:$0x3FFD];
	_ =	sdelay $0x3  }
0x9f: {  	_ =	strace s8  }
0xa0: {  	_ =	strace $0x8FFFFFFF  }
0xa1: {  	s19 =	sld [smem:$0x3FDB];
	_ =	sdelay $0x1  }
0xa2: {  	s9 =	simm.s32 $_scs_section_size  }
0xa3: {  	s10 =	simm.s32 $_size__tile_overlayer_lowered;
	s11 =	simm.s32 $_tile_overlayer_lowered  }
0xa4: {  	s22 =	simm.s32 $0x1BFF;
	s21 =	sshll.u32 s11, $0x1;
	s8 =	sadd.s32 s9, s19  }
0xa5: {  	s12 =	simm.s32 $0x0;
	s20 =	sshll.u32 s10, $0x1;
	s10 =	sadd.s32 s21, s8  }
0xa6: {  	[timem:s12], [sflag:s22] =	dma.local [hbm:s10], s20  }
0xa7: {  	_ =	swait.ge [sflag:s22], s20  }
0xa8: {  	s9 =	ssub.s32 $0x0, s20;
	[sflag:s22] =	ssyncset.done $0x0  }
0xa9: {  	[sflag:s22] =	ssyncadd.s32 s9;
	_ =	sdelay $0x1  }
0xaa: {  	s23 =	simm.s32 $0x1B8B  }
0xab: {  	_ =	swait.ge [sflag:s23], $0x1  }
0xac: {  	[sflag:s23] =	ssyncset.done $0x0  }
0xad: {  	s25 =	simm.s32 $0x1B8E;
	s24 =	sld [smem:$0x3FFE];
	[sflag:s23] =	ssyncadd.s32 $0xFFFFFFFF  }
0xae: {  	s26 =	simm.s32 $execute0_lowered;
	[smem:$0x3FD2] =	sst s25  }
0xaf: {  	s10 =	sshll.u32 s26, $0x1;
	_ =	strace $0x80000046;
	[dreg:$0x1] =	wrdreg $0xFFFFFFFF  }
0xb0: {  	s28 =	simm.s32 $_size_execute0_lowered;
	s8 =	sadd.s32 s8, s10;
	[dreg:$0x0] =	wrdreg $0x0  }
0xb1: {  	s10 =	sshll.u32 s28, $0x1;
	[dreg:$0x2] =	wrdreg s8  }
0xb2: {  	[dreg:$0x3] =	wrdreg s10  }
0xb3: {  	[dreg:$0x4] =	wrdreg $0xC0  }
0xb4: {  	_ =	task [dreg:s12], $0x5FFFF  }
0xb5: {  	[dreg:$0x1] =	wrdreg $0xFFFFFFFF  }
0xb6: {  	[dreg:$0x0] =	wrdreg $0x60  }
0xb7: {  	[dreg:$0x2] =	wrdreg s24  }
0xb8: {  	[dreg:$0x3] =	wrdreg s2  }
0xb9: {  	[dreg:$0x4] =	wrdreg s4  }
0xba: {  	[dreg:$0x5] =	wrdreg s17  }
0xbb: {  	[dreg:$0x6] =	wrdreg s5  }
0xbc: {  	[dreg:$0x7] =	wrdreg s6  }
0xbd: {  	[dreg:$0x8] =	wrdreg s16  }
0xbe: {  	[dreg:$0x9] =	wrdreg $0x9  }
0xbf: {  	_ =	task.clear_ibuf [dreg:s12], $0xAFFFF;
	_ =	strace $0x90000046  }
0xc0: {  	s29 =	simm.s32 $0x9;
	_ =	strace $0x80000048  }
0xc1: {  	_ =	swait.ge [sflag:s29], $0x1  }
0xc2: {  	[sflag:s29] =	ssyncadd.s32 $0xFFFFFFFF  }
0xc3: {  	_ =	strace $0x90000048  }
0xc4: {  	_ =	sfence  }
0xc5: {  	s30 =	sld [smem:$0x0];
	_ =	sdelay $0x2  }
0xc6: {  	s31 =	sshll.u32 s1, $0xD;
	s1 =	sshrl.u32 s1, $0x2  }
0xc7: {  	s3 =	sand.u32 $0x4000, s31;
	s1 =	sadd.s32 s1, s30  }
0xc8: {  	s0 =	sor.u32 s3, s0;
	s1 =	sshll.u32 s1, $0x11  }
0xc9: {  	s0 =	sor.u32 s1, s0  }
0xca: {  	s0 =	sadd.s32 $0x8F2B, s0  }
0xcb: {  	[sflag:s0] =	ssyncadd.remote.s32 $0x1  }
0xcc: {  	_ =	sfence.sel $0xFFFF  }
0xcd: {  	[dreg:$0x0] =	wrdreg $0xFFFFFFFF;
	(pc) =	sbr.abs _section_cstart, $3  }
0xce: {  	[dreg:$0x1] =	wrdreg $0xFFFFFFFF  }
0xcf: {  	_ =	task.clear_ibuf [dreg:s12], $0x2FFFF;
	_ =	strace $0x9FFFFFFF  }
0xd0: {  	(tm) =	ssettm $0x7FFFFFFF  }
0xd1: {  	_ =	shalt  }
tec
execute0_lowered:
.L_overlay_start_1:
0x0: {  	(tag) =	ssettag $0x1  }
0x1: {  	s0 =	rddreg [dreg:$0x0]  }
0x2: {  	s1 =	rddreg [dreg:$0x1];
	v0 =	vimm.s32 $0xBA98FEDC;
	v1 =	vimm.s32 $0x76543210;
	v2 =	vimm.s32 $0xFEDCBA98  }
0x3: {  	s2 =	srdreg.scid;
	s3 =	stileid.u32;
	v3 =	vimm.s32 $0x32107654;
	v4 =	vimm.s32 $0xDCFE98BA;
	v5 =	vimm.s32 $0x54761032  }
0x4: {  	s4 =	simm.s32 $0x0;
	v6 =	vimm.s32 $0xEFCDAB89;
	v7 =	vimm.s32 $0x67452301;
	s14 =	simm.s32 $0x3;
	s18 =	simm.s32 $0x400  }
0x5: {  	s23 =	simm.s32 $0x2C00;
	s24 =	simm.s32 $0x3400;
	s28 =	simm.s32 $0x4C00;
	vm0 =	vmmov $0xffff;
	v0 =	vunpack.c.l.s4.s8 v0;
	v3 =	vunpack.c.l.s4.s8 v3  }
0x6: {  	s29 =	simm.s32 $0x5400;
	s30 =	simm.s32 $0x5C00;
	s31 =	simm.s32 $0x6400;
	v1 =	vunpack.c.l.s4.s8 v1;
	v4 =	vunpack.c.l.s4.s8 v4;
	v5 =	vunpack.c.l.s4.s8 v5  }
0x7: {  	s6 =	simm.s32 $0x2;
	s22 =	simm.s32 $0x0;
	s2 =	sand.u32 $0x1, s2;
	v2 =	vunpack.c.l.s4.s8 v2;
	v0 =	vunpack.c.0.s8.s32 v0;
	v3 =	vunpack.c.0.s8.s32 v3  }
0x8: {  	s3 =	sshll.u32 s3, $0x1;
	[smem:$0x7FF] =	sst s4;
	s11 =	sadd.s32 $0x100, s1;
	v6 =	vunpack.c.l.s4.s8 v6;
	v7 =	vunpack.c.l.s4.s8 v7;
	v4 =	vunpack.c.0.s8.s32 v4  }
0x9: {  	s12 =	sadd.s32 $0x200, s1;
	s3 =	sor.u32 s2, s3;
	s2 =	ssub.s32 $0x2, s2;
	v5 =	vunpack.c.0.s8.s32 v5;
	v2 =	vunpack.c.0.s8.s32 v2;
	v8 =	vcombine.low v3, v0  }
0xa: {  	_ =	strace $0x80000047;
	s25 =	sshll.u32 s3, $0x7;
	s5 =	sshrl.u32 s2, $0x1;
	v0 =	vunpack.c.0.s8.s32 v6;
	v3 =	vunpack.c.0.s8.s32 v7;
	v6 =	vlaneseq.u32  }
0xb: {  	s9 =	sshll.u32 s3, $0x5;
	s3 =	simm.s32 $0x0;
	s0 =	sadd.s32 s25, s0;
	v5 =	vcombine.low v5, v4;
	v7 =	vunpack.c.0.s8.s32 v1;
	v4 =	vshrl.u32 v6, $0x3  }
0xc: {  	s2 =	ssub.s32 s2, s5;
	s25 =	simm.s32 $0x3C00;
	s0 =	sadd.s32 $0x200, s0;
	v9 =	vcombine.low v3, v0;
	v0 =	vand.u32 $0x7, v6;
	v1 =	vmul.u32 $0x8, v4  }
0xd: {  	s5 =	simm.s32 $0x0;
	s26 =	smax.u32 s2, $0x1;
	[dreg:$0x8] =	wrdreg s0;
	v3 =	vand.u32 $0xF, v2;
	v2 =	vor.u32 $0x8, v6;
	v4 =	vand.u32 $0xF, v8  }
0xe: {  	[dreg:$0x9] =	wrdreg s26;
	s26 =	simm.s32 $0x4400;
	s0 =	simm.s32 $0x1;
	v5 =	vand.u32 $0xF, v5;
	v3 =	vcombine.low v3, v7;
	v6 =	vand.u32 $0xF, v9  }
.LBB2_1:
0xf: {  	[dreg:$0xa] =	wrdreg s3  }
0x10: {  	s15 =	simm.s32 $0x0;
	s2 =	rddreg [dreg:$0x8]  }
0x11: {  	[tilespmem:s15], [sflag:$0x3] =	stream.linear.gather [hbm4b:s2+s15], $0x400, $0x38;
	[tilespmem:$0xCD00] =	vst v63  }
0x12: {  	_ =	swait.ge [sflag:s14], $0x400  }
0x13: {  	[sflag:s14] =	ssyncset.done $0x0  }
0x14: {  	[sflag:s14] =	ssyncadd.s32 $0xFFFFFC00  }
0x15: {  	s4 =	simm.s32 $0xC400;
	s16 =	rddreg [dreg:$0x3]  }
0x16: {  	[tilespmem:s4], [sflag:$0x3] =	stream.linear.gather [hbm4b:s16+s15], $0x300, $0x38;
	[tilespmem:$0xCD00] =	vst v63  }
0x17: {  	_ =	swait.ge [sflag:s14], $0x300  }
0x18: {  	[sflag:s14] =	ssyncset.done $0x0  }
0x19: {  	[sflag:s14] =	ssyncadd.s32 $0xFFFFFD00  }
0x1a: {  	s19 =	simm.s32 $0xC700;
	s17 =	rddreg [dreg:$0x4]  }
0x1b: {  	[tilespmem:s19], [sflag:$0x3] =	stream.linear.gather [hbm4b:s17+s15], $0x300, $0x38;
	[tilespmem:$0xCD00] =	vst v63  }
0x1c: {  	_ =	swait.ge [sflag:s14], $0x300  }
0x1d: {  	[sflag:s14] =	ssyncset.done $0x0  }
0x1e: {  	[sflag:s14] =	ssyncadd.s32 $0xFFFFFD00  }
0x1f: {  	s21 =	simm.s32 $0xCA00;
	s20 =	rddreg [dreg:$0x5]  }
0x20: {  	[tilespmem:s21], [sflag:$0x3] =	stream.linear.gather [hbm4b:s20+s15], $0x300, $0x38;
	[tilespmem:$0xCD00] =	vst v63  }
0x21: {  	_ =	swait.ge [sflag:s14], $0x300  }
0x22: {  	[sflag:s14] =	ssyncset.done $0x0  }
0x23: {  	s4 =	simm.s32 $0x0;
	[sflag:s14] =	ssyncadd.s32 $0xFFFFFD00  }
.LBB2_2:
0x24: {  	s2 =	sshll.u32 s4, $0x7  }
0x25: {  	s2 =	sand.u32 $0x3FFFFF80, s2  }
0x26: {  	v7 =	vld [tilespmem:s2+$0x0];
	_ =	sdelay $0x4  }
0x27: {  	v8 =	vshrl.u32 v7, $0x3  }
0x28: {  	v8 =	vmul.u32 $0x30, v8  }
0x29: {  	v7 =	vand.u32 $0x7, v7  }
0x2a: {  	v7 =	vor.u32 v7, v8  }
0x2b: {  	v8 =	vperm.xlane v7, v0;
	_ =	sdelay $0x1  }
0x2c: {  	v8 =	vadd.s32 v1, v8;
	_ =	sdelay $0x3  }
0x2d: {  	v7 =	vperm.xlane v7, v2  }
0x2e: {  	[tilespmem:s18], [sflag:$0x1] =	stream.indirect_vreg.gather [hbm4b:s1+s5], $0x80, v8, vm0, $0xb8;
	[tilespmem:$0xCD00] =	vst v63  }
0x2f: {  	s3 =	simm.s32 $0xC00;
	v7 =	vadd.s32 v1, v7  }
0x30: {  	[tilespmem:s3], [sflag:$0x1] =	stream.indirect_vreg.gather [hbm4b:s11+s5], $0x80, v8, vm0, $0xb8;
	[tilespmem:$0xCD00] =	vst v63  }
0x31: {  	s16 =	simm.s32 $0x1400  }
0x32: {  	[tilespmem:s16], [sflag:$0x1] =	stream.indirect_vreg.gather [hbm4b:s12+s5], $0x80, v8, vm0, $0xb8;
	[tilespmem:$0xCD00] =	vst v63  }
0x33: {  	s17 =	simm.s32 $0x1C00  }
0x34: {  	[tilespmem:s17], [sflag:$0x1] =	stream.indirect_vreg.gather [hbm4b:s1+s5], $0x80, v7, vm0, $0xb8;
	[tilespmem:$0xCD00] =	vst v63  }
0x35: {  	s19 =	simm.s32 $0x2400  }
0x36: {  	[tilespmem:s19], [sflag:$0x1] =	stream.indirect_vreg.gather [hbm4b:s11+s5], $0x80, v7, vm0, $0xb8;
	[tilespmem:$0xCD00] =	vst v63  }
0x37: {  	_ = 	snop  }
0x38: {  	[tilespmem:s23], [sflag:$0x1] =	stream.indirect_vreg.gather [hbm4b:s12+s5], $0x80, v7, vm0, $0xb8;
	[tilespmem:$0xCD00] =	vst v63  }
0x39: {  	v7 =	vld [tilespmem:s2+$0x10];
	_ =	sdelay $0x4  }
0x3a: {  	v8 =	vshrl.u32 v7, $0x3  }
0x3b: {  	v8 =	vmul.u32 $0x30, v8  }
0x3c: {  	v7 =	vand.u32 $0x7, v7  }
0x3d: {  	v7 =	vor.u32 v7, v8  }
0x3e: {  	v8 =	vperm.xlane v7, v0;
	_ =	sdelay $0x1  }
0x3f: {  	v8 =	vadd.s32 v1, v8;
	_ =	sdelay $0x3  }
0x40: {  	v7 =	vperm.xlane v7, v2  }
0x41: {  	[tilespmem:s24], [sflag:$0x1] =	stream.indirect_vreg.gather [hbm4b:s1+s5], $0x80, v8, vm0, $0xb8;
	[tilespmem:$0xCD00] =	vst v63  }
0x42: {  	v7 =	vadd.s32 v1, v7  }
0x43: {  	[tilespmem:s25], [sflag:$0x1] =	stream.indirect_vreg.gather [hbm4b:s11+s5], $0x80, v8, vm0, $0xb8;
	[tilespmem:$0xCD00] =	vst v63  }
0x44: {  	s20 =	sshll.u32 s4, $0x2  }
0x45: {  	[tilespmem:s26], [sflag:$0x1] =	stream.indirect_vreg.gather [hbm4b:s12+s5], $0x80, v8, vm0, $0xb8;
	[tilespmem:$0xCD00] =	vst v63  }
0x46: {  	s15 =	sadd.s32 s9, s20  }
0x47: {  	[tilespmem:s28], [sflag:$0x1] =	stream.indirect_vreg.gather [hbm4b:s1+s5], $0x80, v7, vm0, $0xb8;
	[tilespmem:$0xCD00] =	vst v63  }
0x48: {  	s2 =	sand.u32 $0xFC, s15  }
0x49: {  	[tilespmem:s29], [sflag:$0x1] =	stream.indirect_vreg.gather [hbm4b:s11+s5], $0x80, v7, vm0, $0xb8;
	[tilespmem:$0xCD00] =	vst v63  }
0x4a: {  	s21 =	rddreg [dreg:$0x2];
	s2 =	smul.u32 $0x300, s2  }
0x4b: {  	[tilespmem:s30], [sflag:$0x1] =	stream.indirect_vreg.gather [hbm4b:s12+s5], $0x80, v7, vm0, $0xb8;
	[tilespmem:$0xCD00] =	vst v63  }
0x4c: {  	s2 =	sadd.s32 s21, s2  }
0x4d: {  	[tilespmem:s31], [sflag:$0x2] =	stream.linear.gather [hbm4b:s2+s5], $0x6000, $0x38;
	[tilespmem:$0xCD00] =	vst v63  }
0x4e: {  	_ =	swait.ge [sflag:s0], $0x6000  }
0x4f: {  	[sflag:s0] =	ssyncset.done $0x0  }
0x50: {  	[sflag:s0] =	ssyncadd.s32 $0xFFFFA000  }
0x51: {  	_ =	swait.ge [sflag:s6], $0x6000  }
0x52: {  	[sflag:s6] =	ssyncset.done $0x0  }
0x53: {  	s16 =	simm.s32 $0x0;
	[sflag:s6] =	ssyncadd.s32 $0xFFFFA000  }
.LBB2_3:
0x54: {  	s10 =	sshrl.u32 s16, $0x3  }
0x55: {  	s3 =	sshll.u32 s16, $0x7;
	s2 =	smul.u32 $0x1800, s10  }
0x56: {  	s17 =	sand.u32 $0x380, s3  }
0x57: {  	s21 =	sand.u32 $0x1C00, s5;
	s3 =	sor.u32 s17, s2  }
0x58: {  	s7 =	sand.u32 $0x70, s5;
	s2 =	sadd.s32 s3, s21  }
0x59: {  	s2 =	sor.u32 s7, s2  }
0x5a: {  	v8 =	vld [tilespmem:s2+$0x6400]  }
0x5b: {  	v10 =	vld [tilespmem:s2+$0x400]  }
0x5c: {  	s13 =	simm.s32 $0xC400  }
0x5d: {  	v9 =	vld [tilespmem:s13+$0x0];
	_ =	sdelay $0x2  }
0x5e: {  	v7 =	vimm.f32 $0.0e+00;
	s8 =	simm.s32 $0x20;
	s19 =	simm.s32 $0x80;
	s7 =	simm.s32 $0x10;
	v10 =	vadd.f32 v8, v10;
	v8 =	vimm.f32 $0.0e+00  }
.LBB2_4:
0x5f: {  	p0 =	sne.s32 s8, $0x2F0;
	s20 =	sand.u32 $0x1C00, s19  }
0x60: {  	s21 =	sand.u32 $0x70, s7;
	s7 =	smov.u32 s8;
	s20 =	sadd.s32 s3, s20;
	v9 =	vadd.f32 v9, v10  }
0x61: {  	s20 =	sor.u32 s21, s20  }
0x62: {  	v10 =	vld [tilespmem:s20+$0x6400];
	[tilespmem:s2+$0x400] =	vst v9;
	v7 =	vadd.f32 v9, v7;
	v9 =	vmul.f32 v9, v9;
	s2 =	smov.u32 s20  }
0x63: {  	v11 =	vld [tilespmem:s2+$0x400]  }
.Ltmp0:
0x64: {  	s13 =	sadd.s32 $0x10, s13;
	v8 =	vadd.f32 v9, v8;
	(pc) =	sbr.rel @p0 .LBB2_4-.Ltmp0, $2  }
0x65: {  	v9 =	vld [tilespmem:s13+$0x0];
	_ =	sdelay $0x2  }
0x66: {  	s8 =	sadd.s32 $0x10, s8;
	s19 =	sadd.s32 $0x80, s19;
	v10 =	vadd.f32 v10, v11  }
0x67: {  	s8 =	sand.u32 $0x1C00, s19  }
0x68: {  	s7 =	sand.u32 $0x70, s7;
	s3 =	sadd.s32 s3, s8;
	v9 =	vadd.f32 v9, v10  }
0x69: {  	s3 =	sor.u32 s7, s3  }
0x6a: {  	v10 =	vld [tilespmem:s3+$0x6400];
	[tilespmem:s2+$0x400] =	vst v9  }
0x6b: {  	v11 =	vld [tilespmem:s3+$0x400]  }
0x6c: {  	s8 =	sadd.s32 $0x10, s13  }
0x6d: {  	v12 =	vld [tilespmem:s8+$0x0];
	_ =	sdelay $0x2  }
0x6e: {  	v10 =	vadd.f32 v10, v11;
	_ =	sdelay $0x1  }
0x6f: {  	v7 =	vadd.f32 v9, v7;
	v9 =	vmul.f32 v9, v9;
	v10 =	vadd.f32 v12, v10;
	_ =	sdelay $0x1  }
0x70: {  	v8 =	vadd.f32 v9, v8;
	v7 =	vadd.f32 v10, v7;
	v9 =	vmul.f32 v10, v10;
	_ =	sdelay $0x1  }
0x71: {  	v8 =	vadd.f32 v9, v8;
	v9 =	vperm.xlane v7, v3;
	_ =	sdelay $0x1  }
0x72: {  	v7 =	vadd.f32 v9, v7;
	v9 =	vperm.xlane v8, v3;
	_ =	sdelay $0x1  }
0x73: {  	v11 =	vperm.xlane v7, v4;
	v8 =	vadd.f32 v9, v8;
	_ =	sdelay $0x1  }
0x74: {  	v7 =	vadd.f32 v11, v7;
	v9 =	vperm.xlane v8, v4;
	_ =	sdelay $0x1  }
0x75: {  	v11 =	vperm.xlane v7, v5;
	v8 =	vadd.f32 v9, v8;
	_ =	sdelay $0x1  }
0x76: {  	v7 =	vadd.f32 v11, v7;
	v9 =	vperm.xlane v8, v5;
	_ =	sdelay $0x1  }
0x77: {  	v11 =	vperm.xlane v7, v6;
	v8 =	vadd.f32 v9, v8;
	_ =	sdelay $0x1  }
0x78: {  	v7 =	vadd.f32 v11, v7;
	v9 =	vperm.xlane v8, v6;
	_ =	sdelay $0x1  }
0x79: {  	v8 =	vadd.f32 v9, v8;
	v7 =	vmul.f32 $1.302083370e-03, v7;
	_ =	sdelay $0x1  }
0x7a: {  	v8 =	vmul.f32 $1.302083370e-03, v8;
	v9 =	vmul.f32 v7, v7;
	_ =	sdelay $0x1  }
0x7b: {  	v8 =	vsub.f32 v8, v9;
	_ =	sdelay $0x1  }
0x7c: {  	v8 =	vadd.f32 $9.999999960e-13, v8;
	_ =	sdelay $0x1  }
0x7d: {  	v9 =	vshrl.u32 v8, $0x1;
	v8 =	vmul.f32 $5.000000000e-01, v8  }
0x7e: {  	v9 =	vsub.s32 $0x5F3759DF, v9  }
0x7f: {  	v11 =	vmul.f32 v9, v8;
	_ =	sdelay $0x1  }
0x80: {  	v11 =	vmul.f32 v9, v11;
	_ =	sdelay $0x1  }
0x81: {  	v11 =	vsub.f32 $1.500000000e+00, v11;
	_ =	sdelay $0x1  }
0x82: {  	v9 =	vmul.f32 v9, v11;
	_ =	sdelay $0x1  }
0x83: {  	v11 =	vmul.f32 v9, v8;
	_ =	sdelay $0x1  }
0x84: {  	s13 =	smul.u32 $0x6000, s10;
	v11 =	vmul.f32 v11, v9;
	_ =	sdelay $0x1  }
0x85: {  	s19 =	simm.s32 $0x0;
	s2 =	sshra.s32 s13, $0x2;
	v11 =	vsub.f32 $1.500000000e+00, v11  }
0x86: {  	s20 =	sand.u32 $0x7000, s19;
	s2 =	sor.u32 s17, s2  }
0x87: {  	s21 =	sshrl.u32 s20, $0x2;
	s10 =	sor.u32 $0x400, s2;
	v9 =	vmul.f32 v11, v9  }
0x88: {  	s7 =	sand.u32 $0x70, s19;
	s2 =	sadd.s32 s21, s10  }
0x89: {  	s17 =	sadd.s32 s7, s2;
	[tilespmem:s3+$0x400] =	vst v10;
	v8 =	vmul.f32 v9, v8  }
0x8a: {  	v10 =	vld [tilespmem:s17+$0x0]  }
0x8b: {  	v8 =	vmul.f32 v8, v9;
	_ =	sdelay $0x1  }
0x8c: {  	v8 =	vsub.f32 $1.500000000e+00, v8  }
0x8d: {  	s13 =	simm.s32 $0xC700  }
0x8e: {  	v11 =	vld [tilespmem:s13+$0x0];
	v8 =	vmul.f32 v8, v9;
	v9 =	vsub.f32 v10, v7  }
0x8f: {  	s3 =	simm.s32 $0xCA00  }
0x90: {  	v10 =	vmul.f32 v9, v8;
	v9 =	vld [tilespmem:s3+$0x0];
	_ =	sdelay $0x2  }
0x91: {  	s7 =	simm.s32 $0x200;
	v10 =	vmul.f32 v10, v11  }
0x92: {  	s8 =	simm.s32 $0x20;
	s2 =	simm.s32 $0x10;
	s19 =	sand.u32 $0x7000, s7  }
.LBB2_6:
0x93: {  	p0 =	sne.s32 s8, $0x2F0;
	s19 =	sshrl.u32 s19, $0x2;
	v9 =	vadd.f32 v10, v9  }
0x94: {  	s20 =	sand.u32 $0x70, s2;
	s2 =	smov.u32 s8;
	s19 =	sadd.s32 s19, s10  }
0x95: {  	[tilespmem:s17+$0x0] =	vst v9;
	s17 =	sadd.s32 s20, s19  }
0x96: {  	v9 =	vld [tilespmem:s17+$0x0];
	_ =	sdelay $0x2  }
0x97: {  	s13 =	sadd.s32 $0x10, s13  }
0x98: {  	v10 =	vld [tilespmem:s13+$0x0]  }
0x99: {  	s3 =	sadd.s32 $0x10, s3;
	v11 =	vsub.f32 v9, v7  }
.Ltmp1:
0x9a: {  	v9 =	vld [tilespmem:s3+$0x0];
	(pc) =	sbr.rel @p0 .LBB2_6-.Ltmp1, $3  }
0x9b: {  	v11 =	vmul.f32 v11, v8;
	_ =	sdelay $0x1  }
0x9c: {  	s7 =	sadd.s32 $0x200, s7;
	v10 =	vmul.f32 v11, v10  }
0x9d: {  	s8 =	sadd.s32 $0x10, s8;
	s19 =	sand.u32 $0x7000, s7  }
0x9e: {  	s7 =	sshrl.u32 s19, $0x2;
	v9 =	vadd.f32 v10, v9  }
0x9f: {  	s2 =	sand.u32 $0x70, s2;
	s7 =	sadd.s32 s7, s10  }
0xa0: {  	s2 =	sadd.s32 s2, s7;
	[tilespmem:s17+$0x0] =	vst v9  }
0xa1: {  	v9 =	vld [tilespmem:s2+$0x0];
	_ =	sdelay $0x2  }
0xa2: {  	s21 =	sadd.s32 $0x10, s13  }
0xa3: {  	v62 =	vld [tilespmem:s21+$0x0]  }
0xa4: {  	s3 =	sadd.s32 $0x10, s3;
	v7 =	vsub.f32 v9, v7  }
0xa5: {  	v63 =	vld [tilespmem:s3+$0x0]  }
0xa6: {  	s16 =	sadd.s32 $0x1, s16;
	v7 =	vmul.f32 v7, v8  }
0xa7: {  	p0 =	sne.s32 s16, $0x20  }
.Ltmp2:
0xa8: {  	v7 =	vmul.f32 v7, v62;
	(pc) =	sbr.rel @p0 .LBB2_3-.Ltmp2, $3  }
0xa9: {  	_ = 	snop  }
0xaa: {  	v7 =	vadd.f32 v7, v63;
	_ =	sdelay $0x1  }
0xab: {  	[tilespmem:s2+$0x0] =	vst v7  }
0xac: {  	s2 =	smul.u32 $0x300, s15;
	s4 =	sadd.s32 $0x1, s4  }
0xad: {  	s3 =	rddreg [dreg:$0x6];
	p0 =	sne.s32 s4, $0x8  }
.Ltmp3:
0xae: {  	s2 =	sadd.s32 s3, s2;
	(pc) =	sbr.rel @p0 .LBB2_2-.Ltmp3, $4  }
0xaf: {  	[hbm4b:s2+s22] =	stream.linear.scatter [tilespmem:s18], [sflag:$0x3], $0x6000, $0x38;
	[tilespmem:$0xCD00] =	vst v63  }
0xb0: {  	_ =	swait.ge [sflag:s14], $0x6000  }
0xb1: {  	[sflag:s14] =	ssyncset.done $0x0  }
0xb2: {  	[sflag:s14] =	ssyncadd.s32 $0xFFFFA000  }
0xb3: {  	s3 =	rddreg [dreg:$0xa]  }
0xb4: {  	s2 =	rddreg [dreg:$0x9];
	s3 =	sadd.s32 $0x1, s3  }
0xb5: {  	p0 =	sne.s32 s3, s2  }
.Ltmp4:
0xb6: {  	_ = 	snop;
	(pc) =	sbr.rel @p0 .LBB2_1-.Ltmp4, $1  }
0xb7: {  	_ =	sdelay $0x3  }
0xb8: {  	_ =	sfence.sel $0x180000  }
0xb9: {  	[bflag:$0x0] =	sbarrier.arrive $0xFFFF  }
0xba: {  	_ =	strace $0x90000047  }
0xbb: {  	s0 =	stileid.u32;
	[bflag:$0x2] =	sbarrier.arrive $0xFFFF  }
0xbc: {  	p0 =	sne.s32 s0, $0x0;
	s0 =	rddreg [dreg:$0x7]  }
0xbd: {  	s0 =	sadd.s32 @!p0 $0x100000, s0  }
0xbe: {  	[sflag:s0] =	ssyncadd.tile.s32 @!p0 $0x1;
	_ =	shalt  }
.Lfunc_end2:
_tile_overlayer_lowered:
.L_overlay_start_2:
0xbf: {  	(tag) =	ssettag $0x2  }
0xc0: {  	s0 =	rddreg [dreg:$0x0];
	s2 =	stileid.u32  }
0xc1: {  	s1 =	rddreg [dreg:$0x1];
	p0 =	sne.s32 s2, $0x0  }
0xc2: {  	s3 =	rddreg [dreg:$0x2];
	[bflag:$0x3] =	sbarrier.arrive $0xFFFF;
	s2 =	simm.s32 @!p0 $0x1C03  }
0xc3: {  	[timem:s3], [sflag:s2] =	dma.local @!p0 [hbm:s0], s1  }
0xc4: {  	s0 =	simm.s32 @!p0 $0x3  }
0xc5: {  	_ =	swait.ge @!p0 [sflag:s0], s1  }
0xc6: {  	s1 =	ssub.s32 @!p0 $0x0, s1;
	[sflag:s0] =	ssyncset.done @!p0 $0x0  }
0xc7: {  	[sflag:s0] =	ssyncadd.s32 @!p0 s1  }
0xc8: {  	[bflag:$0x3] =	sbarrier.arrive $0xFFFF  }
0xc9: {  	_ =	shalt  }

</sc_bundles>
